<compile_context>
chip_gen: v7x
topology: tpu7x:2x2x1
jax: 0.10.2.dev20260603
libtpu: 0.0.44.dev20260713+nightly
codegen_flags: <defaults>
</compile_context>

<pallas_src>
import jax
import jax.numpy as jnp
from jax.experimental import pallas as pl
from jax.experimental.pallas import tpu as pltpu

_CBLK = 2048


def _body(uf_ref, uid_ref, hist_ref, wuf_ref, buf_ref, wut_ref, but_ref,
          corpus_ref, scores_ref, ue_ref):
    @pl.when(pl.program_id(0) == 0)
    def _():
        ufe = jax.lax.dot_general(
            uf_ref[...], wuf_ref[...], (((1,), (1,)), ((), ())),
            preferred_element_type=jnp.float32) + buf_ref[...][None, :]
        ti = jnp.concatenate([uid_ref[...], ufe, hist_ref[...]], axis=1)
        ue_ref[...] = jax.lax.dot_general(
            ti, wut_ref[...], (((1,), (1,)), ((), ())),
            preferred_element_type=jnp.float32) + but_ref[...][None, :]

    scores_ref[...] = jax.lax.dot_general(
        ue_ref[...], corpus_ref[...], (((1,), (1,)), ((), ())),
        preferred_element_type=jnp.float32)


def kernel(user_id, user_features, user_history, user_id_table, item_id_table,
           W_uf, b_uf, W_ut, b_ut, item_corpus_emb, num_items):
    B = user_id.shape[0]
    C, DI = item_corpus_emb.shape
    DU = W_uf.shape[0]

    hist_sum = jnp.mean(jnp.take(item_id_table, user_history, axis=0), axis=1)
    uid_emb = jnp.take(user_id_table, user_id, axis=0)

    nblk = pl.cdiv(C, _CBLK)
    full = lambda shape: pl.BlockSpec(shape, lambda j: (0,) * len(shape))
    scores = pl.pallas_call(
        _body,
        grid=(nblk,),
        in_specs=[
            full((B, user_features.shape[1])),
            full((B, DU)),
            full((B, DI)),
            full(W_uf.shape),
            full(b_uf.shape),
            full(W_ut.shape),
            full(b_ut.shape),
            pl.BlockSpec((_CBLK, DI), lambda j: (j, 0)),
        ],
        out_specs=pl.BlockSpec((B, _CBLK), lambda j: (0, j)),
        out_shape=jax.ShapeDtypeStruct((B, C), jnp.float32),
        scratch_shapes=[pltpu.VMEM((B, DU), jnp.float32)],
    )(user_features, uid_emb, hist_sum, W_uf, b_uf, W_ut, b_ut,
      item_corpus_emb)

    top_values, top_indices = jax.lax.approx_max_k(scores, 100, recall_target=1.0)
    return top_values, top_indices.astype(jnp.int32)

# --- scband reference (transcript-rebuilt; emitter-appended) ---
"""Pipeline reference for scband-two-tower-base-retrieval-10883447128670 (READ-ONLY COPY).

The authoritative reference and input builder live on the scoring server;
editing this copy changes nothing except your own understanding.
"""

import jax, jax.numpy as jnp
import numpy as np

B = 1024
H = 200
DU = 64
DI = 64
IU = 128
U_HASH = 1000000
I_HASH = 1000000
CORPUS = 100000
NUM_ITEMS = 100


def setup_inputs(seed: int = 0) -> dict:
    key = jax.random.key(seed)
    ks = jax.random.split(key, 10)
    user_id = jax.random.randint(ks[0], (B,), 0, U_HASH, dtype=jnp.int64 if jax.config.jax_enable_x64 else jnp.int32).astype(jnp.int32)
    user_features = jax.random.normal(ks[1], (B, IU), dtype=jnp.float32)
    user_history = jax.random.randint(ks[2], (B, H), 0, I_HASH).astype(jnp.int32)
    user_id_table = jax.random.normal(ks[3], (U_HASH, DU), dtype=jnp.float32) * 0.02
    item_id_table = jax.random.normal(ks[4], (I_HASH, DI), dtype=jnp.float32) * 0.02
    W_uf = jax.random.normal(ks[5], (DU, IU), dtype=jnp.float32) * 0.02
    b_uf = jnp.zeros((DU,), dtype=jnp.float32)
    W_ut = jax.random.normal(ks[6], (DU, 2 * DU + DI), dtype=jnp.float32) * 0.02
    b_ut = jnp.zeros((DU,), dtype=jnp.float32)
    item_corpus_emb = jax.random.normal(ks[7], (CORPUS, DI), dtype=jnp.float32) * 0.02
    return {
        "user_id": user_id,
        "user_features": user_features,
        "user_history": user_history,
        "user_id_table": user_id_table,
        "item_id_table": item_id_table,
        "W_uf": W_uf,
        "b_uf": b_uf,
        "W_ut": W_ut,
        "b_ut": b_ut,
        "item_corpus_emb": item_corpus_emb,
        "num_items": NUM_ITEMS,
    }


def reference(user_id, user_features, user_history, user_id_table, item_id_table,
              W_uf, b_uf, W_ut, b_ut, item_corpus_emb, num_items):
    # compute_user_embedding
    user_history_embedding = jnp.take(item_id_table, user_history, axis=0)  # [B, H, DI] gather
    # user_history_encoder: mean pooling over history positions
    user_history_summary = jnp.mean(user_history_embedding, axis=1)          # [B, DI]
    user_id_embedding = jnp.take(user_id_table, user_id, axis=0)             # [B, DU] gather
    user_features_embedding = user_features @ W_uf.T + b_uf                  # [B, DU]
    user_tower_input = jnp.concatenate(
        [user_id_embedding, user_features_embedding, user_history_summary], axis=1)  # [B, 2*DU+DI]
    user_embedding = user_tower_input @ W_ut.T + b_ut                        # [B, DU]
    # knn_module: brute-force Maximum Inner Product Search over item corpus
    scores = user_embedding @ item_corpus_emb.T                              # [B, CORPUS]
    top_values, top_indices = jax.lax.top_k(scores, NUM_ITEMS)               # [B, num_items]
    num_items_arr = jnp.asarray(num_items)
    top_indices = top_indices + (num_items_arr - num_items_arr).astype(top_indices.dtype)
    return top_values, top_indices

if __name__ == "__main__":
    import jax
    _d = setup_inputs()
    print(jax.jit(kernel)(*tuple(_d.values())))

</pallas_src>

<mosaic_0001>
module attributes {stable_mosaic.version = 14 : i64} {
  func.func @_body(%arg0: i32, %arg1: memref<1024x128xf32, #tpu.memory_space<vmem>>, %arg2: memref<1024x64xf32, #tpu.memory_space<vmem>>, %arg3: memref<1024x64xf32, #tpu.memory_space<vmem>>, %arg4: memref<64x128xf32, #tpu.memory_space<vmem>>, %arg5: memref<64xf32, #tpu.memory_space<vmem>>, %arg6: memref<64x192xf32, #tpu.memory_space<vmem>>, %arg7: memref<64xf32, #tpu.memory_space<vmem>>, %arg8: memref<2048x64xf32, #tpu.memory_space<vmem>>, %arg9: memref<1024x2048xf32, #tpu.memory_space<vmem>>, %arg10: memref<1024x64xf32, #tpu.memory_space<vmem>>) attributes {dimension_semantics = [#tpu.dimension_semantics<arbitrary>], iteration_bounds = array<i64: 49>, scalar_prefetch = 0 : i64, scratch_operands = 1 : i64, tpu.core_type = #tpu.core_type<tc>, window_params = [{pipeline_mode = #tpu.pipeline_mode<synchronous>, transform_indices = @transform_0, window_bounds = array<i64: 1024, 128>}, {pipeline_mode = #tpu.pipeline_mode<synchronous>, transform_indices = @transform_1, window_bounds = array<i64: 1024, 64>}, {pipeline_mode = #tpu.pipeline_mode<synchronous>, transform_indices = @transform_2, window_bounds = array<i64: 1024, 64>}, {pipeline_mode = #tpu.pipeline_mode<synchronous>, transform_indices = @transform_3, window_bounds = array<i64: 64, 128>}, {pipeline_mode = #tpu.pipeline_mode<synchronous>, transform_indices = @transform_4, window_bounds = array<i64: 64>}, {pipeline_mode = #tpu.pipeline_mode<synchronous>, transform_indices = @transform_5, window_bounds = array<i64: 64, 192>}, {pipeline_mode = #tpu.pipeline_mode<synchronous>, transform_indices = @transform_6, window_bounds = array<i64: 64>}, {transform_indices = @transform_7, window_bounds = array<i64: 2048, 64>}, {transform_indices = @transform_8, window_bounds = array<i64: 1024, 2048>}]} {
    %eq3A = arith.constant 0 : i32
    %eq3A_0 = arith.cmpi eq, %arg0, %eq3A : i32
    %convert_element_type3A = arith.extui %eq3A_0 : i1 to i32
    %cond3A = arith.constant 0 : i32
    %cond3A_1 = arith.cmpi ne, %convert_element_type3A, %cond3A : i32
    scf.if %cond3A_1 {
      %get3A_10 = arith.constant 0 : index
      %get3A_11 = arith.constant 0 : index
      %get3A_12 = vector.load %arg1[%get3A_10, %get3A_11] : memref<1024x128xf32, #tpu.memory_space<vmem>>, vector<1024x128xf32>
      %get3A_13 = arith.constant 0 : index
      %get3A_14 = arith.constant 0 : index
      %get3A_15 = vector.load %arg4[%get3A_13, %get3A_14] : memref<64x128xf32, #tpu.memory_space<vmem>>, vector<64x128xf32>
      %dot_general3A_16 = arith.constant dense<0.000000e+00> : vector<1024x64xf32>
      %dot_general3A_17 = tpu.matmul %get3A_12, %get3A_15, %dot_general3A_16 {dimension_numbers = #tpu.dot_dimension_numbers<[1], [1], [0], [0], [0, 0, 1, 0], [], []>, transpose_lhs_hint = false} : vector<1024x128xf32>, vector<64x128xf32>, vector<1024x64xf32> -> vector<1024x64xf32>
      %get3A_18 = arith.constant 0 : index
      %get3A_19 = vector.load %arg5[%get3A_18] : memref<64xf32, #tpu.memory_space<vmem>>, vector<64xf32>
      %broadcast_in_dim3A = vector.shape_cast %get3A_19 : vector<64xf32> to vector<1x64xf32>
      %add3A = vector.broadcast %broadcast_in_dim3A : vector<1x64xf32> to vector<1024x64xf32>
      %add3A_20 = arith.addf %dot_general3A_17, %add3A : vector<1024x64xf32>
      %get3A_21 = arith.constant 0 : index
      %get3A_22 = arith.constant 0 : index
      %get3A_23 = vector.load %arg2[%get3A_21, %get3A_22] : memref<1024x64xf32, #tpu.memory_space<vmem>>, vector<1024x64xf32>
      %get3A_24 = arith.constant 0 : index
      %get3A_25 = arith.constant 0 : index
      %get3A_26 = vector.load %arg3[%get3A_24, %get3A_25] : memref<1024x64xf32, #tpu.memory_space<vmem>>, vector<1024x64xf32>
      %concatenate3A = tpu.concatenate %get3A_23, %add3A_20, %get3A_26 in 1 : vector<1024x64xf32>, vector<1024x64xf32>, vector<1024x64xf32> -> vector<1024x192xf32>
      %get3A_27 = arith.constant 0 : index
      %get3A_28 = arith.constant 0 : index
      %get3A_29 = vector.load %arg6[%get3A_27, %get3A_28] : memref<64x192xf32, #tpu.memory_space<vmem>>, vector<64x192xf32>
      %dot_general3A_30 = arith.constant dense<0.000000e+00> : vector<1024x64xf32>
      %dot_general3A_31 = tpu.matmul %concatenate3A, %get3A_29, %dot_general3A_30 {dimension_numbers = #tpu.dot_dimension_numbers<[1], [1], [0], [0], [0, 0, 1, 0], [], []>, transpose_lhs_hint = false} : vector<1024x192xf32>, vector<64x192xf32>, vector<1024x64xf32> -> vector<1024x64xf32>
      %get3A_32 = arith.constant 0 : index
      %get3A_33 = vector.load %arg7[%get3A_32] : memref<64xf32, #tpu.memory_space<vmem>>, vector<64xf32>
      %broadcast_in_dim3A_34 = vector.shape_cast %get3A_33 : vector<64xf32> to vector<1x64xf32>
      %add3A_35 = vector.broadcast %broadcast_in_dim3A_34 : vector<1x64xf32> to vector<1024x64xf32>
      %add3A_36 = arith.addf %dot_general3A_31, %add3A_35 : vector<1024x64xf32>
      %swap3A_37 = arith.constant 0 : index
      %swap3A_38 = arith.constant 0 : index
      %swap3A_39 = vector.load %arg10[%swap3A_37, %swap3A_38] : memref<1024x64xf32, #tpu.memory_space<vmem>>, vector<1024x64xf32>
      tpu.vector_store %arg10[%swap3A_37, %swap3A_38], %add3A_36 {strides = array<i32>} : memref<1024x64xf32, #tpu.memory_space<vmem>>, vector<1024x64xf32>,
    } else {
    }
    %get3A = arith.constant 0 : index
    %get3A_2 = arith.constant 0 : index
    %get3A_3 = vector.load %arg10[%get3A, %get3A_2] : memref<1024x64xf32, #tpu.memory_space<vmem>>, vector<1024x64xf32>
    %get3A_4 = arith.constant 0 : index
    %get3A_5 = arith.constant 0 : index
    %get3A_6 = vector.load %arg8[%get3A_4, %get3A_5] : memref<2048x64xf32, #tpu.memory_space<vmem>>, vector<2048x64xf32>
    %dot_general3A = arith.constant dense<0.000000e+00> : vector<1024x2048xf32>
    %dot_general3A_7 = tpu.matmul %get3A_3, %get3A_6, %dot_general3A {dimension_numbers = #tpu.dot_dimension_numbers<[1], [1], [0], [0], [0, 0, 1, 0], [], []>, transpose_lhs_hint = false} : vector<1024x64xf32>, vector<2048x64xf32>, vector<1024x2048xf32> -> vector<1024x2048xf32>
    %swap3A = arith.constant 0 : index
    %swap3A_8 = arith.constant 0 : index
    %swap3A_9 = vector.load %arg9[%swap3A, %swap3A_8] : memref<1024x2048xf32, #tpu.memory_space<vmem>>, vector<1024x2048xf32>
    tpu.vector_store %arg9[%swap3A, %swap3A_8], %dot_general3A_7 {strides = array<i32>} : memref<1024x2048xf32, #tpu.memory_space<vmem>>, vector<1024x2048xf32>,
    return
  }
  func.func @transform_0(%arg0: i32) -> (i32, i32) {
    %c0_i32 = arith.constant 0 : i32
    %c0_i32_0 = arith.constant 0 : i32
    %c0_i32_1 = arith.constant 0 : i32
    return %c0_i32, %c0_i32_0 : i32, i32
  }
  func.func @transform_1(%arg0: i32) -> (i32, i32) {
    %c0_i32 = arith.constant 0 : i32
    %c0_i32_0 = arith.constant 0 : i32
    %c0_i32_1 = arith.constant 0 : i32
    return %c0_i32, %c0_i32_0 : i32, i32
  }
  func.func @transform_2(%arg0: i32) -> (i32, i32) {
    %c0_i32 = arith.constant 0 : i32
    %c0_i32_0 = arith.constant 0 : i32
    %c0_i32_1 = arith.constant 0 : i32
    return %c0_i32, %c0_i32_0 : i32, i32
  }
  func.func @transform_3(%arg0: i32) -> (i32, i32) {
    %c0_i32 = arith.constant 0 : i32
    %c0_i32_0 = arith.constant 0 : i32
    %c0_i32_1 = arith.constant 0 : i32
    return %c0_i32, %c0_i32_0 : i32, i32
  }
  func.func @transform_4(%arg0: i32) -> i32 {
    %c0_i32 = arith.constant 0 : i32
    %c0_i32_0 = arith.constant 0 : i32
    return %c0_i32 : i32
  }
  func.func @transform_5(%arg0: i32) -> (i32, i32) {
    %c0_i32 = arith.constant 0 : i32
    %c0_i32_0 = arith.constant 0 : i32
    %c0_i32_1 = arith.constant 0 : i32
    return %c0_i32, %c0_i32_0 : i32, i32
  }
  func.func @transform_6(%arg0: i32) -> i32 {
    %c0_i32 = arith.constant 0 : i32
    %c0_i32_0 = arith.constant 0 : i32
    return %c0_i32 : i32
  }
  func.func @transform_7(%arg0: i32) -> (i32, i32) {
    %c0_i32 = arith.constant 0 : i32
    %c0_i32_0 = arith.constant 0 : i32
    return %arg0, %c0_i32 : i32, i32
  }
  func.func @transform_8(%arg0: i32) -> (i32, i32) {
    %c0_i32 = arith.constant 0 : i32
    %c0_i32_0 = arith.constant 0 : i32
    return %c0_i32, %arg0 : i32, i32
  }
}

</mosaic_0001>

<sc_bundles>
// kernel: gather_offload_async_start
scs
__scs_entry_jumppad:
0x0: {  	(pc) =	sbr.rel $0x88, $3  }
0x1: {  	(tag) =	ssettag $0x0;
	lr =	simm.s32 $0x1  }
0x2: {  	[smem:$0x3F97] =	sst lr;
	_ =	strace $0xD0000000  }
0x3: {  	_ = 	snop  }
0x4: {  	_ = 	snop  }
0x5: {  	_ = 	snop  }
0x6: {  	_ = 	snop  }
0x7: {  	_ = 	snop  }
__scs_overlays_trampoline_lowered:
0x8: {  	[smem:$0x3FA6] =	sst s0  }
0x9: {  	[smem:$0x3FA7] =	sst s1  }
0xa: {  	[smem:$0x3FA8] =	sst s2  }
0xb: {  	[smem:$0x3FA9] =	sst s3  }
0xc: {  	[smem:$0x3FAA] =	sst s4  }
0xd: {  	[smem:$0x3FAB] =	sst s5  }
0xe: {  	[smem:$0x3FAC] =	sst s6  }
0xf: {  	[smem:$0x3FAD] =	sst s7  }
0x10: {  	[smem:$0x3FAE] =	sst s8  }
0x11: {  	[smem:$0x3FAF] =	sst s9;
	s0 =	simm.s32 @!p0 $0x0  }
0x12: {  	s1 =	sld [smem:$0x3F95];
	s0 =	simm.s32 @p0 $0x1  }
0x13: {  	[smem:$0x3FB0] =	sst s0;
	s0 =	simm.s32 @!p1 $0x0  }
0x14: {  	s2 =	sld [smem:$0x3F94];
	s0 =	simm.s32 @p1 $0x1  }
0x15: {  	[smem:$0x3FB1] =	sst s0;
	s0 =	simm.s32 @!p2 $0x0  }
0x16: {  	s3 =	sld [smem:$0x3FDB];
	s0 =	simm.s32 @p2 $0x1  }
0x17: {  	s4 =	simm.s32 $0x1BF5;
	[smem:$0x3FB3] =	sst s0  }
0x18: {  	s0 =	sld [smem:$0x3F96];
	_ =	swait.ge [sflag:s4], $0x0  }
0x19: {  	s7 =	sld [smem:$0x3F97]  }
0x1a: {  	s8 =	sadd.s32 $0xFFFFE003, lr  }
0x1b: {  	s9 =	sadd.s32 $0xFFFFFEF7, lr;
	s5 =	simm.s32 $0xFFFFFFFF;
	p2 =	slt.u32 s8, $0xFFFFF086  }
0x1c: {  	p1 =	slt.u32 s9, $0xF7A;
	s5 =	simm.s32 @!p2 $0x0  }
0x1d: {  	s5 =	simm.s32 @p1 $0x1;
	p0 =	seq.s32 s7, s2  }
0x1e: {  	s7 =	smul.u32 @!p0 $0xF7A, s2;
	p2 =	seq.s32 @!p0 s5, $0x0  }
0x1f: {  	s9 =	smul.u32 $0xF7A, s1;
	s8 =	simm.s32 @!p0 $0x1BF5;
	p2 =	por !p2, p0  }
0x20: {  	[sflag:s8] =	ssyncset.s32 @!p0 $0xFFFFF086;
	s6 =	sadd.s32 @!p0 s3, s7;
	s7 =	simm.s32 @!p0 $0x108  }
0x21: {  	s3 =	sadd.s32 s3, s9;
	s6 =	sadd.s32 @!p0 $0x88, s6;
	s7 =	simm.s32 @p2 $0x1082  }
0x22: {  	[simem:s7], [sflag:s8] =	dma.local @!p0 [hbm:s6], $0xF7A  }
0x23: {  	s9 =	sor.u32 $0xD0000000, s2;
	s6 =	simm.s32 $0x108;
	_ =	swait.ge @!p0 [sflag:s8], $0x0  }
0x24: {  	s3 =	sadd.s32 $0x88, s3;
	s6 =	simm.s32 @!p1 $0x1082;
	[sflag:s4] =	ssyncset.s32 $0xFFFFF086  }
0x25: {  	[simem:s6], [sflag:s4] =	dma.local [hbm:s3], $0xF7A  }
0x26: {  	[smem:$0x3F97] =	sst s1;
	(tag) =	ssettag s2;
	_ =	strace s9  }
0x27: {  	s1 =	sld [smem:$0x3FA7]  }
0x28: {  	s2 =	sld [smem:$0x3FA8]  }
0x29: {  	s4 =	sld [smem:$0x3FAA]  }
0x2a: {  	p0 =	seq.s32 s5, $0x0;
	s5 =	sld [smem:$0x3FAB]  }
0x2b: {  	s6 =	sld [smem:$0x3FAC]  }
0x2c: {  	s7 =	sld [smem:$0x3FAD]  }
0x2d: {  	s3 =	simm.s32 $0x108;
	s8 =	sld [smem:$0x3FAE]  }
0x2e: {  	s3 =	simm.s32 @!p0 $0x1082;
	s9 =	sld [smem:$0x3FAF]  }
0x2f: {  	lr =	sadd.s32 s0, s3;
	s0 =	sld [smem:$0x3FA6]  }
0x30: {  	s3 =	sld [smem:$0x3FA9]  }
0x31: {  	[smem:$0x3FB2] =	sst s10  }
0x32: {  	s10 =	sld [smem:$0x3FB0];
	_ =	sdelay $0x3  }
0x33: {  	p0 =	seq.s32 s10, $0x1;
	s10 =	sld [smem:$0x3FB2];
	_ =	sdelay $0x3  }
0x34: {  	[smem:$0x3FB2] =	sst s10  }
0x35: {  	s10 =	sld [smem:$0x3FB1];
	_ =	sdelay $0x3  }
0x36: {  	p1 =	seq.s32 s10, $0x1;
	s10 =	sld [smem:$0x3FB2];
	_ =	sdelay $0x3  }
0x37: {  	[smem:$0x3FB2] =	sst s10  }
0x38: {  	s10 =	sld [smem:$0x3FB3]  }
0x39: {  	_ = 	snop;
	(pc) =	sbr.ind lr, $3  }
0x3a: {  	_ = 	snop  }
0x3b: {  	_ = 	snop  }
0x3c: {  	p2 =	seq.s32 s10, $0x1;
	s10 =	sld [smem:$0x3FB2]  }
0x3d: {  	_ =	shalt  }
0x3e: {  	_ =	shalt  }
0x3f: {  	_ =	shalt  }
0x40: {  	_ =	shalt  }
0x41: {  	_ =	shalt  }
0x42: {  	_ =	shalt  }
0x43: {  	_ =	shalt  }
0x44: {  	_ =	shalt  }
0x45: {  	_ =	shalt  }
0x46: {  	_ =	shalt  }
0x47: {  	_ =	shalt  }
0x48: {  	_ =	shalt  }
0x49: {  	_ =	shalt  }
0x4a: {  	_ =	shalt  }
0x4b: {  	_ =	shalt  }
0x4c: {  	_ =	shalt  }
0x4d: {  	_ =	shalt  }
0x4e: {  	_ =	shalt  }
0x4f: {  	_ =	shalt  }
0x50: {  	_ =	shalt  }
0x51: {  	_ =	shalt  }
0x52: {  	_ =	shalt  }
0x53: {  	_ =	shalt  }
0x54: {  	_ =	shalt  }
0x55: {  	_ =	shalt  }
0x56: {  	_ =	shalt  }
0x57: {  	_ =	shalt  }
0x58: {  	_ =	shalt  }
0x59: {  	_ =	shalt  }
0x5a: {  	_ =	shalt  }
0x5b: {  	_ =	shalt  }
0x5c: {  	_ =	shalt  }
0x5d: {  	_ =	shalt  }
0x5e: {  	_ =	shalt  }
0x5f: {  	_ =	shalt  }
0x60: {  	_ =	shalt  }
0x61: {  	_ =	shalt  }
0x62: {  	_ =	shalt  }
0x63: {  	_ =	shalt  }
0x64: {  	_ =	shalt  }
0x65: {  	_ =	shalt  }
0x66: {  	_ =	shalt  }
0x67: {  	_ =	shalt  }
0x68: {  	_ =	shalt  }
0x69: {  	_ =	shalt  }
0x6a: {  	_ =	shalt  }
0x6b: {  	_ =	shalt  }
0x6c: {  	_ =	shalt  }
0x6d: {  	_ =	shalt  }
0x6e: {  	_ =	shalt  }
0x6f: {  	_ =	shalt  }
0x70: {  	_ =	shalt  }
0x71: {  	_ =	shalt  }
0x72: {  	_ =	shalt  }
0x73: {  	_ =	shalt  }
0x74: {  	_ =	shalt  }
0x75: {  	_ =	shalt  }
0x76: {  	_ =	shalt  }
0x77: {  	_ =	shalt  }
0x78: {  	_ =	shalt  }
0x79: {  	_ =	shalt  }
0x7a: {  	_ =	shalt  }
0x7b: {  	_ =	shalt  }
0x7c: {  	_ =	shalt  }
0x7d: {  	_ =	shalt  }
0x7e: {  	_ =	shalt  }
0x7f: {  	_ =	shalt  }
0x80: {  	_ =	shalt  }
0x81: {  	_ =	shalt  }
0x82: {  	_ =	shalt  }
0x83: {  	_ =	shalt  }
0x84: {  	_ =	shalt  }
0x85: {  	_ =	shalt  }
0x86: {  	_ =	shalt  }
0x87: {  	_ =	shalt  }
.Lfunc_end0:
.L_simem_size_0:
called_computation_lowered:
.L_overlay_start_0:
0x88: {  	s2 =	sld [smem:$0x3FD9]  }
0x89: {  	s3 =	sld [smem:$0x3FFE];
	_ =	sdelay $0x1  }
0x8a: {  	s1 =	srdreg.scid  }
0x8b: {  	s0 =	sand.u32 $0x1, s1  }
0x8c: {  	s16 =	sshll.u32 s0, $0xA;
	s2 =	sadd.s32 s3, s2  }
0x8d: {  	s2 =	sadd.s32 s2, s16  }
0x8e: {  	[smem:$0x3FBE] =	sst s2  }
0x8f: {  	_ = 	snop  }
0x90: {  	(tm) =	ssettm $0x1  }
0x91: {  	s17 =	sld [smem:$0x3FFB];
	_ =	sdelay $0x3  }
0x92: {  	_ =	strace s17  }
0x93: {  	s2 =	sld [smem:$0x3FFC];
	_ =	sdelay $0x3  }
0x94: {  	_ =	strace s2  }
0x95: {  	s2 =	sld [smem:$0x3FFD];
	_ =	sdelay $0x3  }
0x96: {  	_ =	strace s2  }
0x97: {  	_ =	strace $0x8FFFFFFF  }
0x98: {  	s18 =	sld [smem:$0x3FDB];
	_ =	sdelay $0x1  }
0x99: {  	s19 =	simm.s32 $_scs_section_size  }
0x9a: {  	s4 =	simm.s32 $_size__tile_overlayer_lowered;
	s5 =	simm.s32 $_tile_overlayer_lowered  }
0x9b: {  	s22 =	simm.s32 $0x1BFF;
	s21 =	sshll.u32 s5, $0x1;
	s2 =	sadd.s32 s19, s18  }
0x9c: {  	s6 =	simm.s32 $0x0;
	s20 =	sshll.u32 s4, $0x1;
	s4 =	sadd.s32 s21, s2  }
0x9d: {  	[timem:s6], [sflag:s22] =	dma.local [hbm:s4], s20  }
0x9e: {  	_ =	swait.ge [sflag:s22], s20  }
0x9f: {  	s3 =	ssub.s32 $0x0, s20;
	[sflag:s22] =	ssyncset.done $0x0  }
0xa0: {  	[sflag:s22] =	ssyncadd.s32 s3;
	_ =	sdelay $0x1  }
0xa1: {  	s23 =	simm.s32 $0x1B8B  }
0xa2: {  	_ =	swait.ge [sflag:s23], $0x1  }
0xa3: {  	[sflag:s23] =	ssyncset.done $0x0  }
0xa4: {  	s25 =	simm.s32 $0x1B8E;
	s24 =	sld [smem:$0x3FFE];
	[sflag:s23] =	ssyncadd.s32 $0xFFFFFFFF  }
0xa5: {  	s26 =	simm.s32 $execute0_lowered;
	[smem:$0x3FD2] =	sst s25  }
0xa6: {  	s4 =	sshll.u32 s26, $0x1;
	_ =	strace $0x80000046;
	[dreg:$0x1] =	wrdreg $0xFFFFFFFF  }
0xa7: {  	s28 =	simm.s32 $_size_execute0_lowered;
	s2 =	sadd.s32 s2, s4;
	[dreg:$0x0] =	wrdreg $0x0  }
0xa8: {  	s4 =	sshll.u32 s28, $0x1;
	[dreg:$0x2] =	wrdreg s2  }
0xa9: {  	[dreg:$0x3] =	wrdreg s4  }
0xaa: {  	[dreg:$0x4] =	wrdreg $0xC0  }
0xab: {  	_ =	task [dreg:s6], $0x5FFFF  }
0xac: {  	[dreg:$0x1] =	wrdreg $0xFFFFFFFF  }
0xad: {  	[dreg:$0x0] =	wrdreg $0x60  }
0xae: {  	[dreg:$0x2] =	wrdreg s24  }
0xaf: {  	[dreg:$0x3] =	wrdreg $0x9  }
0xb0: {  	_ =	task.clear_ibuf [dreg:s6], $0x4FFFF;
	_ =	strace $0x90000046  }
0xb1: {  	s29 =	simm.s32 $0x9;
	_ =	strace $0x80000048  }
0xb2: {  	_ =	swait.ge [sflag:s29], $0x1  }
0xb3: {  	[sflag:s29] =	ssyncadd.s32 $0xFFFFFFFF  }
0xb4: {  	_ =	strace $0x90000048  }
0xb5: {  	_ =	sfence  }
0xb6: {  	s30 =	sld [smem:$0x0];
	_ =	sdelay $0x2  }
0xb7: {  	s31 =	sshll.u32 s1, $0xD;
	s1 =	sshrl.u32 s1, $0x2  }
0xb8: {  	s3 =	sand.u32 $0x4000, s31;
	s1 =	sadd.s32 s1, s30  }
0xb9: {  	s0 =	sor.u32 s3, s0;
	s1 =	sshll.u32 s1, $0x11  }
0xba: {  	s0 =	sor.u32 s1, s0  }
0xbb: {  	s0 =	sadd.s32 $0x8F2B, s0  }
0xbc: {  	[sflag:s0] =	ssyncadd.remote.s32 $0x1  }
0xbd: {  	_ =	sfence.sel $0xFFFF  }
0xbe: {  	[dreg:$0x0] =	wrdreg $0xFFFFFFFF;
	(pc) =	sbr.abs _section_cstart, $3  }
0xbf: {  	[dreg:$0x1] =	wrdreg $0xFFFFFFFF  }
0xc0: {  	_ =	task.clear_ibuf [dreg:s6], $0x2FFFF;
	_ =	strace $0x9FFFFFFF  }
0xc1: {  	(tm) =	ssettm $0x7FFFFFFF  }
tec
execute0_lowered:
.L_overlay_start_1:
0x0: {  	(tag) =	ssettag $0x1  }
0x1: {  	s7 =	rddreg [dreg:$0x0]  }
0x2: {  	s1 =	srdreg.scid;
	s0 =	rddreg [dreg:$0x1]  }
0x3: {  	_ =	strace $0x80000047;
	s3 =	simm.s32 $0x1;
	s5 =	simm.s32 $0x2  }
0x4: {  	s9 =	simm.s32 $0x3;
	s11 =	simm.s32 $0x0;
	s2 =	sshll.u32 s1, $0x4  }
.Ltmp0:
0x5: {  	s1 =	stileid.u32;
	s4 =	sand.u32 $0x10, s2;
	(pc) =	sbr.rel .LBB2_1-.Ltmp0, $4  }
0x6: {  	p0 =	por $0x0, $0x0;
	[sflag:s3] =	ssyncpa.u1 $0x0;
	s4 =	sor.u32 s1, s4  }
0x7: {  	s6 =	sadd.s32 $0xF43200, s7;
	[sflag:s5] =	ssyncpa.u1 $0x0;
	s4 =	smul.u32 $0x1900, s4  }
0x8: {  	s2 =	sadd.s32 $0xE00, s7;
	s7 =	sadd.s32 $0xF49600, s7;
	[sflag:s9] =	ssyncpa.u1 $0x0  }
0x9: {  	vm0 =	vmmov $0xff;
	vm1 =	vcmask $0x3F20;
	s9 =	simm.s32 $0x0;
	s8 =	sadd.s32 $0x1900, s4;
	s10 =	smov.u32 s4  }
.LBB2_6:
0xa: {  	[hbm:s15] =	stream.linear.scatter [tilespmem:s12], [sflag:$0x3], $0x400, $0x38;
	[tilespmem:$0x14280] =	vst v63  }
.LBB2_7:
0xb: {  	p1 =	slt.u32 s9, $0x2;
	s11 =	sadd.s32 $0x140, s10  }
0xc: {  	s13 =	smov.u32 s4;
	s9 =	sadd.s32 $0x1, s9;
	p2 =	slt.s32 s11, s8  }
0xd: {  	s13 =	smov.u32 @p2 s11;
	p2 =	sne.s32 s9, $0x16  }
.Ltmp1:
0xe: {  	_ = 	snop;
	(pc) =	sbr.rel @!p2 .LBB2_8-.Ltmp1, $4  }
0xf: {  	s12 =	simm.s32 @!p1 $0x3  }
0x10: {  	_ =	swait.ge @!p1 [sflag:s12], $0xA000  }
0x11: {  	p0 =	por !p0, !p0;
	[sflag:s12] =	ssyncset.done @!p1 $0x0  }
0x12: {  	s11 =	smov.u32 s10;
	s10 =	smov.u32 s13;
	[sflag:s12] =	ssyncadd.s32 @!p1 $0xFFFF6000  }
.LBB2_1:
0x13: {  	p1 =	sgt.u32 s9, $0x13  }
0x14: {  	s12 =	sxor.u32 @!p1 $0xFFFFFFFF, s9  }
0x15: {  	s12 =	sand.u32 @!p1 $0x1, s12  }
0x16: {  	s12 =	smul.u32 @!p1 $0x500, s12  }
0x17: {  	s31 =	sadd.s32 $0xFFFFFFFF, s9;
	s13 =	sshrl.u32 @!p1 s10, $0x3  }
0x18: {  	s14 =	sand.u32 @!p1 $0x7, s10;
	s13 =	sadd.s32 @!p1 s6, s13;
	s12 =	sshrl.u32 @!p1 s12, $0x2  }
0x19: {  	[tilespmem:s12], [sflag:$0x2] =	stream.linear.gather @!p1 [hbm4b:s13+s14], $0x140, $0x38;
	[tilespmem:$0x14280] =	vst v63  }
0x1a: {  	p1 =	sgt.u32 s31, $0x13  }
.Ltmp2:
0x1b: {  	_ = 	snop;
	(pc) =	sbr.rel @p1 .LBB2_7-.Ltmp2, $1  }
0x1c: {  	_ =	sdelay $0x3  }
0x1d: {  	s12 =	simm.s32 $0x1  }
0x1e: {  	s12 =	simm.s32 @!p0 $0x0  }
0x1f: {  	s13 =	smul.u32 $0x500, s12  }
0x20: {  	_ =	swait.ge [sflag:s5], $0x140  }
0x21: {  	[sflag:s5] =	ssyncset.done $0x0;
	s14 =	sshrl.u32 s13, $0x2  }
0x22: {  	[sflag:s5] =	ssyncadd.s32 $0xFFFFFEC0;
	s13 =	sadd.s32 $0x0, s14  }
0x23: {  	v0 =	vld.msk [tilespmem:s13+$0x0 ss:$0x1], $0xffff;
	_ =	sdelay $0x4  }
0x24: {  	vm2 =	vgt.s32 v0, $0x0  }
0x25: {  	v0 =	vnsel vm2, $0x0, v0  }
0x26: {  	v0 =	vmin.u32 v0, $0xF423F  }
0x27: {  	v0 =	vshll.u32 v0, $0x4  }
0x28: {  	s12 =	smul.u32 $0x28000, s12;
	_ =	sdelay $0x1  }
0x29: {  	s12 =	sshrl.u32 s12, $0x2  }
0x2a: {  	s12 =	sor.u32 $0x280, s12  }
0x2b: {  	[tilespmem:s12], [sflag:$0x1] =	stream.indirect_vreg.gather [hbm:s2], $0x80, v0, vm0, $0x38;
	[tilespmem:$0x14280] =	vst v63  }
0x2c: {  	s15 =	sadd.s32 $0x10, s14;
	s13 =	sadd.s32 $0x400, s12  }
0x2d: {  	[tilespmem:s13], [sflag:$0x1] =	stream.indirect_vreg.gather [hbm:s2], $0x80, v0, vm1, $0x38;
	[tilespmem:$0x14280] =	vst v63  }
0x2e: {  	s16 =	simm.s32 $0x80;
	v0 =	vld.msk [tilespmem:s15+$0x0 ss:$0x1], $0xffff;
	s15 =	smov.u32 s12  }
.LBB2_3:
0x2f: {  	p1 =	sne.s32 s16, $0x4C0;
	_ =	sdelay $0x4  }
0x30: {  	vm2 =	vgt.s32 v0, $0x0  }
0x31: {  	v0 =	vnsel vm2, $0x0, v0  }
0x32: {  	v0 =	vmin.u32 v0, $0xF423F  }
0x33: {  	v0 =	vshll.u32 v0, $0x4;
	_ =	sdelay $0x3  }
.Ltmp3:
0x34: {  	s17 =	sshra.s32 s16, $0x2;
	s15 =	sadd.s32 $0x800, s15;
	(pc) =	sbr.rel @p1 .LBB2_3-.Ltmp3, $4  }
0x35: {  	[tilespmem:s15], [sflag:$0x1] =	stream.indirect_vreg.gather [hbm:s2], $0x80, v0, vm0, $0x38;
	[tilespmem:$0x14280] =	vst v63  }
0x36: {  	s17 =	sadd.s32 s17, s14;
	s18 =	sadd.s32 $0x400, s15  }
0x37: {  	[tilespmem:s18], [sflag:$0x1] =	stream.indirect_vreg.gather [hbm:s2], $0x80, v0, vm1, $0x38;
	[tilespmem:$0x14280] =	vst v63  }
0x38: {  	s16 =	sadd.s32 $0x40, s16;
	v0 =	vld.msk [tilespmem:s17+$0x0 ss:$0x1], $0xffff  }
0x39: {  	_ =	sdelay $0x3  }
0x3a: {  	vm2 =	vgt.s32 v0, $0x0  }
0x3b: {  	v0 =	vnsel vm2, $0x0, v0  }
0x3c: {  	v0 =	vmin.u32 v0, $0xF423F  }
0x3d: {  	v0 =	vshll.u32 v0, $0x4;
	_ =	sdelay $0x3  }
0x3e: {  	s14 =	sadd.s32 $0x800, s15  }
0x3f: {  	[tilespmem:s14], [sflag:$0x1] =	stream.indirect_vreg.gather [hbm:s2], $0x80, v0, vm0, $0x38;
	[tilespmem:$0x14280] =	vst v63  }
0x40: {  	s14 =	sadd.s32 $0x400, s14  }
0x41: {  	[tilespmem:s14], [sflag:$0x1] =	stream.indirect_vreg.gather [hbm:s2], $0x80, v0, vm1, $0x38;
	[tilespmem:$0x14280] =	vst v63  }
0x42: {  	s11 =	sshll.u32 s11, $0x4;
	_ =	swait.ge [sflag:s3], $0xA000  }
0x43: {  	s11 =	sadd.s32 s11, s7;
	[sflag:s3] =	ssyncset.done $0x0  }
0x44: {  	s15 =	sadd.s32 $0x0, s11;
	s14 =	simm.s32 $0x80;
	[sflag:s3] =	ssyncadd.s32 $0xFFFF6000  }
.LBB2_5:
0x45: {  	[hbm:s15] =	stream.linear.scatter [tilespmem:s12], [sflag:$0x3], $0x400, $0x38;
	[tilespmem:$0x14280] =	vst v63  }
0x46: {  	s15 =	smov.u32 s14;
	s12 =	smov.u32 s13;
	p1 =	sne.s32 s14, $0x1380  }
.Ltmp4:
0x47: {  	s14 =	sadd.s32 $0x80, s14;
	(pc) =	sbr.rel @p1 .LBB2_5-.Ltmp4, $2  }
0x48: {  	_ =	sdelay $0x2  }
0x49: {  	s13 =	sadd.s32 $0x400, s13;
	s15 =	sadd.s32 s15, s11  }
.Ltmp5:
0x4a: {  	_ = 	snop;
	(pc) =	sbr.rel .LBB2_6-.Ltmp5, $1  }
0x4b: {  	_ =	sdelay $0x3  }
.LBB2_8:
0x4c: {  	_ =	sfence.sel $0x180000  }
0x4d: {  	s2 =	simm.s32 $0x2;
	[bflag:$0x0] =	sbarrier.arrive $0xFFFF  }
0x4e: {  	s30 =	simm.s32 $0x3;
	[sflag:s2] =	ssyncpa.u1 $0x1  }
0x4f: {  	s31 =	simm.s32 $0x1;
	[sflag:s30] =	ssyncpa.u1 $0x1  }
0x50: {  	[sflag:s31] =	ssyncpa.u1 $0x1  }
0x51: {  	p0 =	sne.s32 s1, $0x0;
	_ =	strace $0x90000047  }
0x52: {  	s0 =	sadd.s32 @!p0 $0x100000, s0;
	[bflag:$0x2] =	sbarrier.arrive $0xFFFF  }
0x53: {  	[sflag:s0] =	ssyncadd.tile.s32 @!p0 $0x1;
	_ =	shalt  }
.Lfunc_end2:
_tile_overlayer_lowered:
.L_overlay_start_2:
0x54: {  	(tag) =	ssettag $0x2  }
0x55: {  	s0 =	rddreg [dreg:$0x0];
	s2 =	stileid.u32  }
0x56: {  	s1 =	rddreg [dreg:$0x1];
	p0 =	sne.s32 s2, $0x0  }
0x57: {  	s3 =	rddreg [dreg:$0x2];
	[bflag:$0x3] =	sbarrier.arrive $0xFFFF;
	s2 =	simm.s32 @!p0 $0x1C01  }
0x58: {  	[timem:s3], [sflag:s2] =	dma.local @!p0 [hbm:s0], s1  }
0x59: {  	s0 =	simm.s32 @!p0 $0x1  }
0x5a: {  	_ =	swait.ge @!p0 [sflag:s0], s1  }
0x5b: {  	s1 =	ssub.s32 @!p0 $0x0, s1;
	[sflag:s0] =	ssyncset.done @!p0 $0x0  }
0x5c: {  	[sflag:s0] =	ssyncadd.s32 @!p0 s1  }
0x5d: {  	[bflag:$0x3] =	sbarrier.arrive $0xFFFF  }
0x5e: {  	_ =	shalt  }

</sc_bundles>
